<compile_context>
chip_gen: v7x
topology: tpu7x:2x2x1
jax: 0.10.2.dev20260603
libtpu: 0.0.44.dev20260713+nightly
codegen_flags: <defaults>
</compile_context>

<pallas_src>
import functools
import math

import jax
import jax.numpy as jnp
from jax import lax
from jax.experimental import pallas as pl
from jax.experimental.pallas import tpu as pltpu
from jax.experimental.pallas import tpu_sc as plsc

_N = 4096
_V = 32000
_PAD = 0
_SMOOTH = 0.1
_EPS = _SMOOTH / (_V - 2)
_CONF = 1.0 - _SMOOTH
_C = _CONF * math.log(_CONF) + _SMOOTH * math.log(_EPS)

_SC_CORES = 2
_SC_SUBCORES = 16
_SC_LANES = 16
_NW = _SC_CORES * _SC_SUBCORES
_BPW = _N // _NW

_BR = 32
_K = 4


def _sc_gather_body(x_hbm, tgt_hbm, g_hbm, tgt_v, idx_v, g_v, sem):
    wid = lax.axis_index("s") * _SC_CORES + lax.axis_index("c")
    base = wid * _BPW
    pltpu.sync_copy(tgt_hbm.at[pl.ds(base, _BPW)], tgt_v)

    @pl.loop(0, _BPW, step=_SC_LANES)
    def _(k):
        rows = (base + k) + lax.iota(jnp.int32, _SC_LANES)
        idx_v[pl.ds(k, _SC_LANES)] = rows * _V + tgt_v[pl.ds(k, _SC_LANES)]

    pltpu.async_copy(x_hbm.at[idx_v], g_v, sem).wait()
    pltpu.sync_copy(g_v, g_hbm.at[pl.ds(base, _BPW)])


def _tc_body(tgt_ref, g_ref, *refs):
    *x_refs, out_ref = refs
    j = pl.program_id(0)

    @pl.when(j == 0)
    def _():
        out_ref[...] = jnp.zeros((1, 1), jnp.float32)

    nonpad = (tgt_ref[...] != _PAD).astype(jnp.float32)
    acc = jnp.zeros((1, 1), jnp.float32)
    for k, x_ref in enumerate(x_refs):
        sl = slice(k * _BR, (k + 1) * _BR)
        rowsums = jnp.sum(x_ref[...], axis=1, keepdims=True)
        x0 = x_ref[:, 0:1]
        per_row = (_C + _EPS * x0 - (_CONF - _EPS) * g_ref[sl, :]
                   - _EPS * rowsums)
        acc += jnp.sum(nonpad[sl, :] * per_row).reshape(1, 1)
    out_ref[...] += acc


def _make_sc_gather():
    return pl.kernel(
        _sc_gather_body,
        mesh=plsc.VectorSubcoreMesh(
            core_axis_name="c", subcore_axis_name="s",
            num_cores=_SC_CORES, num_subcores=_SC_SUBCORES,
        ),
        out_type=jax.ShapeDtypeStruct((_N,), jnp.float32),
        scratch_types=[
            pltpu.VMEM((_BPW,), jnp.int32),
            pltpu.VMEM((_BPW,), jnp.int32),
            pltpu.VMEM((_BPW,), jnp.float32),
            pltpu.SemaphoreType.DMA,
        ],
    )


def kernel(x, tgt):
    tgt = tgt.astype(jnp.int32)
    g = _make_sc_gather()(x.reshape(-1), tgt)
    x_specs = [
        pl.BlockSpec((_BR, _V), functools.partial(lambda k, j: (j * _K + k, 0), k))
        for k in range(_K)
    ]
    total = pl.pallas_call(
        _tc_body,
        grid=(_N // (_BR * _K),),
        in_specs=[
            pl.BlockSpec((_K * _BR, 1), lambda j: (j, 0)),
            pl.BlockSpec((_K * _BR, 1), lambda j: (j, 0)),
            *x_specs,
        ],
        out_specs=pl.BlockSpec((1, 1), lambda j: (0, 0)),
        out_shape=jax.ShapeDtypeStruct((1, 1), jnp.float32),
    )(tgt.reshape(_N, 1), g.reshape(_N, 1), *([x] * _K))
    return total[0, 0]

# --- scband reference (transcript-rebuilt; emitter-appended) ---
"""Pipeline reference for scband-label-smoothing-9680856285558 (READ-ONLY COPY).

The authoritative reference and input builder live on the scoring server;
editing this copy changes nothing except your own understanding.
"""

import jax, jax.numpy as jnp
import numpy as np

SIZE = 32000
PAD_IDX = 0
SMOOTHING = 0.1
N = 4096


def setup_inputs(seed: int = 0) -> dict:
    key = jax.random.key(seed)
    k1, k2 = jax.random.split(key)
    x = jax.random.normal(k1, (N, SIZE), dtype=jnp.float32)
    tgt = jax.random.randint(k2, (N,), 0, SIZE, dtype=jnp.int64) if jax.config.jax_enable_x64 else jax.random.randint(k2, (N,), 0, SIZE, dtype=jnp.int32)
    return {"x": x, "tgt": tgt}


def _build_true_dist(x, tgt):
    # smoothed target distribution (detached / constant w.r.t. x values)
    true_dist = jnp.full(x.shape, SMOOTHING / (SIZE - 2), dtype=x.dtype)
    rows = jnp.arange(x.shape[0])
    true_dist = true_dist.at[rows, tgt].set(1.0 - SMOOTHING)
    true_dist = true_dist.at[:, PAD_IDX].set(0.0)
    pad_mask = (tgt == PAD_IDX)
    true_dist = jnp.where(pad_mask[:, None], 0.0, true_dist)
    return true_dist


def reference(x, tgt):
    true_dist = _build_true_dist(x, tgt)
    # torch KLDivLoss(reduction='sum'): sum_t t * (log t - x), with 0 where t == 0
    safe_t = jnp.where(true_dist > 0, true_dist, 1.0)
    pointwise = jnp.where(true_dist > 0, true_dist * (jnp.log(safe_t) - x), 0.0)
    return jnp.sum(pointwise)

if __name__ == "__main__":
    import jax
    _d = setup_inputs()
    print(jax.jit(kernel)(*tuple(_d.values())))

</pallas_src>

<mosaic_0001>
#map = affine_map<(d0, d1) -> (0)>
module attributes {stable_mosaic.version = 14 : i64} {
  func.func @_sc_gather_body(%arg0: i32, %arg1: i32, %arg2: memref<131072000xf32, #tpu.memory_space<hbm>>, %arg3: memref<4096xi32, #tpu.memory_space<hbm>>, %arg4: memref<4096xf32, #tpu.memory_space<hbm>>, %arg5: memref<128xi32, #tpu.memory_space<vmem>>, %arg6: memref<128xi32, #tpu.memory_space<vmem>>, %arg7: memref<128xf32, #tpu.memory_space<vmem>>, %arg8: memref<!tpu.dma_semaphore, #tpu.memory_space<semaphore_mem>>) attributes {dimension_semantics = [#tpu.dimension_semantics<core_parallel>, #tpu.dimension_semantics<subcore_parallel>], iteration_bounds = array<i64: 2, 16>, scalar_prefetch = 0 : i64, scratch_operands = 4 : i64, tpu.core_type = #tpu.core_type<sc_vector_subcore>, window_params = [{transform_indices = #map}, {transform_indices = #map}, {transform_indices = #map}]} {
    %mul3A = arith.constant 2 : i32
    %mul3A_0 = arith.muli %arg1, %mul3A : i32
    %add3A = arith.addi %mul3A_0, %arg0 : i32
    %mul3A_1 = arith.constant 128 : i32
    %mul3A_2 = arith.muli %add3A, %mul3A_1 : i32
    "tpu.region"() ({
      %run_scoped3A = tpu.sem_alloc : memref<!tpu.dma_semaphore, #tpu.memory_space<semaphore_mem>>
      %dma_start3A_9 = tpu.memref_slice %arg3[%mul3A_2] : memref<4096xi32, #tpu.memory_space<hbm>> -> memref<128xi32, #tpu.memory_space<hbm>>
      %dma_start3A_10 = tpu.memref_slice %arg3[%mul3A_2] : memref<4096xi32, #tpu.memory_space<hbm>> -> memref<128xi32, #tpu.memory_space<hbm>>
      tpu.enqueue_dma source(%dma_start3A_10 : memref<128xi32, #tpu.memory_space<hbm>>) target(%arg5 : memref<128xi32, #tpu.memory_space<vmem>>) target_semaphore(%run_scoped3A : memref<!tpu.dma_semaphore, #tpu.memory_space<semaphore_mem>>)
      %dma_wait3A_11 = tpu.memref_slice %arg3[%mul3A_2] : memref<4096xi32, #tpu.memory_space<hbm>> -> memref<128xi32, #tpu.memory_space<hbm>>
      %dma_wait3A_12 = tpu.memref_slice %arg3[%mul3A_2] : memref<4096xi32, #tpu.memory_space<hbm>> -> memref<128xi32, #tpu.memory_space<hbm>>
      tpu.wait_dma2 semaphore(%run_scoped3A : memref<!tpu.dma_semaphore, #tpu.memory_space<semaphore_mem>>) src(%dma_wait3A_12 : memref<128xi32, #tpu.memory_space<hbm>>) dst(%arg5 : memref<128xi32, #tpu.memory_space<vmem>>)
      tpu.yield
    }) : () -> ()
    %scan3A = arith.constant 0 : i32
    %scan3A_3 = arith.constant 8 : i32
    %scan3A_4 = arith.addi %scan3A, %scan3A_3 : i32
    %scan3A_5 = arith.constant 1 : i32
    scf.for %scan3A_9 = %scan3A to %scan3A_4 step %scan3A_5  : i32 {
      %mul3A_10 = arith.constant 16 : i32
      %mul3A_11 = arith.muli %scan3A_9, %mul3A_10 : i32
      %add3A_12 = arith.constant 0 : i32
      %add3A_13 = arith.addi %add3A_12, %mul3A_11 : i32
      %add3A_14 = arith.addi %mul3A_2, %add3A_13 : i32
      %iota3A = tpu.iota {dimensions = array<i32: 0>} : vector<16xi32>
      %add3A_15 = vector.broadcast %add3A_14 : i32 to vector<16xi32>
      %add3A_16 = arith.addi %add3A_15, %iota3A : vector<16xi32>
      %mul3A_17 = arith.constant 32000 : i32
      %mul3A_18 = vector.broadcast %mul3A_17 : i32 to vector<16xi32>
      %mul3A_19 = arith.muli %add3A_16, %mul3A_18 : vector<16xi32>
      %get3A = arith.index_cast %add3A_13 : i32 to index
      %get3A_20 = tpu.vector_load %arg5[%get3A] {strides = array<i32>} : memref<128xi32, #tpu.memory_space<vmem>>, vector<16xi32>,
      %get3A_21 = vector.shape_cast %get3A_20 : vector<16xi32> to vector<16xi32>
      %add3A_22 = arith.addi %mul3A_19, %get3A_21 : vector<16xi32>
      %swap3A = arith.index_cast %add3A_13 : i32 to index
      %swap3A_23 = tpu.vector_load %arg6[%swap3A] {strides = array<i32>} : memref<128xi32, #tpu.memory_space<vmem>>, vector<16xi32>,
      %swap3A_24 = vector.shape_cast %swap3A_23 : vector<16xi32> to vector<16xi32>
      %swap3A_25 = vector.shape_cast %add3A_22 : vector<16xi32> to vector<16xi32>
      tpu.vector_store %arg6[%swap3A], %swap3A_25 {strides = array<i32>} : memref<128xi32, #tpu.memory_space<vmem>>, vector<16xi32>,
    }
    %scan3A_6 = arith.constant 8 : i32
    %dma_start3A = arith.constant 0 : i32
    %dma_start3A_7 = tpu.memref_slice %arg2[%dma_start3A] : memref<131072000xf32, #tpu.memory_space<hbm>> -> memref<131072000xf32, #tpu.memory_space<hbm>>
    tpu.enqueue_indirect_dma source(%dma_start3A_7 : memref<131072000xf32, #tpu.memory_space<hbm>>) target(%arg7 : memref<128xf32, #tpu.memory_space<vmem>>) offsets(%arg6 : memref<128xi32, #tpu.memory_space<vmem>>) semaphore(%arg8 : memref<!tpu.dma_semaphore, #tpu.memory_space<semaphore_mem>>)
    %dma_wait3A = arith.constant 0 : i32
    %dma_wait3A_8 = tpu.memref_slice %arg2[%dma_wait3A] : memref<131072000xf32, #tpu.memory_space<hbm>> -> memref<131072000xf32, #tpu.memory_space<hbm>>
    tpu.wait_indirect_dma semaphore(%arg8 : memref<!tpu.dma_semaphore, #tpu.memory_space<semaphore_mem>>) src(%dma_wait3A_8 : memref<131072000xf32, #tpu.memory_space<hbm>>) dst(%arg7 : memref<128xf32, #tpu.memory_space<vmem>>)
    "tpu.region"() ({
      %run_scoped3A = tpu.sem_alloc : memref<!tpu.dma_semaphore, #tpu.memory_space<semaphore_mem>>
      %dma_start3A_9 = tpu.memref_slice %arg4[%mul3A_2] : memref<4096xf32, #tpu.memory_space<hbm>> -> memref<128xf32, #tpu.memory_space<hbm>>
      %dma_start3A_10 = tpu.memref_slice %arg4[%mul3A_2] : memref<4096xf32, #tpu.memory_space<hbm>> -> memref<128xf32, #tpu.memory_space<hbm>>
      tpu.enqueue_dma source(%arg7 : memref<128xf32, #tpu.memory_space<vmem>>) target(%dma_start3A_10 : memref<128xf32, #tpu.memory_space<hbm>>) target_semaphore(%run_scoped3A : memref<!tpu.dma_semaphore, #tpu.memory_space<semaphore_mem>>)
      %dma_wait3A_11 = tpu.memref_slice %arg4[%mul3A_2] : memref<4096xf32, #tpu.memory_space<hbm>> -> memref<128xf32, #tpu.memory_space<hbm>>
      %dma_wait3A_12 = tpu.memref_slice %arg4[%mul3A_2] : memref<4096xf32, #tpu.memory_space<hbm>> -> memref<128xf32, #tpu.memory_space<hbm>>
      tpu.wait_dma2 semaphore(%run_scoped3A : memref<!tpu.dma_semaphore, #tpu.memory_space<semaphore_mem>>) src(%arg7 : memref<128xf32, #tpu.memory_space<vmem>>) dst(%dma_wait3A_12 : memref<128xf32, #tpu.memory_space<hbm>>)
      tpu.yield
    }) : () -> ()
    return
  }
}

module attributes {stable_mosaic.version = 14 : i64} {
  func.func @_tc_body(%arg0: i32, %arg1: memref<128x1xi32, #tpu.memory_space<vmem>>, %arg2: memref<128x1xf32, #tpu.memory_space<vmem>>, %arg3: memref<32x32000xf32, #tpu.memory_space<vmem>>, %arg4: memref<32x32000xf32, #tpu.memory_space<vmem>>, %arg5: memref<32x32000xf32, #tpu.memory_space<vmem>>, %arg6: memref<32x32000xf32, #tpu.memory_space<vmem>>, %arg7: memref<1x1xf32, #tpu.memory_space<vmem>>) attributes {dimension_semantics = [#tpu.dimension_semantics<arbitrary>], iteration_bounds = array<i64: 32>, scalar_prefetch = 0 : i64, scratch_operands = 0 : i64, tpu.core_type = #tpu.core_type<tc>, window_params = [{transform_indices = @transform_0, window_bounds = array<i64: 128, 1>}, {transform_indices = @transform_1, window_bounds = array<i64: 128, 1>}, {transform_indices = @transform_2, window_bounds = array<i64: 32, 32000>}, {transform_indices = @transform_3, window_bounds = array<i64: 32, 32000>}, {transform_indices = @transform_4, window_bounds = array<i64: 32, 32000>}, {transform_indices = @transform_5, window_bounds = array<i64: 32, 32000>}, {pipeline_mode = #tpu.pipeline_mode<synchronous>, transform_indices = @transform_6, window_bounds = array<i64: 1, 1>}]} {
    %eq3A = arith.constant 0 : i32
    %eq3A_0 = arith.cmpi eq, %arg0, %eq3A : i32
    %convert_element_type3A = arith.extui %eq3A_0 : i1 to i32
    %cond3A = arith.constant 0 : i32
    %cond3A_1 = arith.cmpi ne, %convert_element_type3A, %cond3A : i32
    scf.if %cond3A_1 {
      %broadcast_in_dim3A_149 = arith.constant 0.000000e+00 : f32
      %broadcast_in_dim3A_150 = vector.broadcast %broadcast_in_dim3A_149 : f32 to vector<1x1xf32>
      %swap3A_151 = arith.constant 0 : index
      %swap3A_152 = arith.constant 0 : index
      %swap3A_153 = vector.load %arg7[%swap3A_151, %swap3A_152] : memref<1x1xf32, #tpu.memory_space<vmem>>, vector<1x1xf32>
      tpu.vector_store %arg7[%swap3A_151, %swap3A_152], %broadcast_in_dim3A_150 {strides = array<i32>} : memref<1x1xf32, #tpu.memory_space<vmem>>, vector<1x1xf32>,
    } else {
    }
    %get3A = arith.constant 0 : index
    %get3A_2 = arith.constant 0 : index
    %get3A_3 = vector.load %arg1[%get3A, %get3A_2] : memref<128x1xi32, #tpu.memory_space<vmem>>, vector<128x1xi32>
    %ne3A = arith.constant 0 : i32
    %ne3A_4 = vector.broadcast %ne3A : i32 to vector<128x1xi32>
    %ne3A_5 = arith.cmpi ne, %get3A_3, %ne3A_4 : vector<128x1xi32>
    %convert_element_type3A_6 = arith.extui %ne3A_5 : vector<128x1xi1> to vector<128x1xi32>
    %convert_element_type3A_7 = arith.sitofp %convert_element_type3A_6 : vector<128x1xi32> to vector<128x1xf32>
    %broadcast_in_dim3A = arith.constant 0.000000e+00 : f32
    %broadcast_in_dim3A_8 = vector.broadcast %broadcast_in_dim3A : f32 to vector<1x1xf32>
    %get3A_9 = arith.constant 0 : index
    %get3A_10 = arith.constant 0 : index
    %get3A_11 = vector.load %arg3[%get3A_9, %get3A_10] : memref<32x32000xf32, #tpu.memory_space<vmem>>, vector<32x32000xf32>
    %reduce_sum3A = arith.constant dense<0.000000e+00> : vector<32xf32>
    %reduce_sum3A_12 = vector.multi_reduction <add>, %get3A_11, %reduce_sum3A [1] : vector<32x32000xf32> to vector<32xf32>
    %broadcast_in_dim3A_13 = vector.shape_cast %reduce_sum3A_12 : vector<32xf32> to vector<32x1xf32>
    %get3A_14 = arith.constant 0 : index
    %get3A_15 = arith.constant 0 : index
    %get3A_16 = vector.load %arg3[%get3A_14, %get3A_15] : memref<32x32000xf32, #tpu.memory_space<vmem>>, vector<32x1xf32>
    %mul3A = arith.constant 3.12519524E-6 : f32
    %mul3A_17 = vector.broadcast %mul3A : f32 to vector<32x1xf32>
    %mul3A_18 = arith.mulf %mul3A_17, %get3A_16 : vector<32x1xf32>
    %add3A = arith.constant -1.3624258 : f32
    %add3A_19 = vector.broadcast %add3A : f32 to vector<32x1xf32>
    %add3A_20 = arith.addf %add3A_19, %mul3A_18 : vector<32x1xf32>
    %get3A_21 = arith.constant 0 : index
    %get3A_22 = arith.constant 0 : index
    %get3A_23 = vector.load %arg2[%get3A_21, %get3A_22] : memref<128x1xf32, #tpu.memory_space<vmem>>, vector<32x1xf32>
    %mul3A_24 = arith.constant 0.899996876 : f32
    %mul3A_25 = vector.broadcast %mul3A_24 : f32 to vector<32x1xf32>
    %mul3A_26 = arith.mulf %mul3A_25, %get3A_23 : vector<32x1xf32>
    %sub3A = arith.subf %add3A_20, %mul3A_26 : vector<32x1xf32>
    %mul3A_27 = arith.constant 3.12519524E-6 : f32
    %mul3A_28 = vector.broadcast %mul3A_27 : f32 to vector<32x1xf32>
    %mul3A_29 = arith.mulf %mul3A_28, %broadcast_in_dim3A_13 : vector<32x1xf32>
    %sub3A_30 = arith.subf %sub3A, %mul3A_29 : vector<32x1xf32>
    %slice3A = vector.extract_strided_slice %convert_element_type3A_7 {offsets = [0, 0], sizes = [32, 1], strides = [1, 1]} : vector<128x1xf32> to vector<32x1xf32>
    %mul3A_31 = arith.mulf %slice3A, %sub3A_30 : vector<32x1xf32>
    %reduce_sum3A_32 = vector.shape_cast %mul3A_31 : vector<32x1xf32> to vector<1x32x1xf32>
    %reduce_sum3A_33 = arith.constant dense<0.000000e+00> : vector<1xf32>
    %reduce_sum3A_34 = vector.multi_reduction <add>, %reduce_sum3A_32, %reduce_sum3A_33 [1, 2] : vector<1x32x1xf32> to vector<1xf32>
    %reduce_sum3A_35 = vector.shape_cast %reduce_sum3A_34 : vector<1xf32> to vector<1x1x1xf32>
    %reduce_sum3A_36 = vector.extract %reduce_sum3A_35[0, 0, 0] : f32 from vector<1x1x1xf32>
    %reshape3A = vector.broadcast %reduce_sum3A_36 : f32 to vector<1x1xf32>
    %add3A_37 = arith.addf %broadcast_in_dim3A_8, %reshape3A : vector<1x1xf32>
    %get3A_38 = arith.constant 0 : index
    %get3A_39 = arith.constant 0 : index
    %get3A_40 = vector.load %arg4[%get3A_38, %get3A_39] : memref<32x32000xf32, #tpu.memory_space<vmem>>, vector<32x32000xf32>
    %reduce_sum3A_41 = arith.constant dense<0.000000e+00> : vector<32xf32>
    %reduce_sum3A_42 = vector.multi_reduction <add>, %get3A_40, %reduce_sum3A_41 [1] : vector<32x32000xf32> to vector<32xf32>
    %broadcast_in_dim3A_43 = vector.shape_cast %reduce_sum3A_42 : vector<32xf32> to vector<32x1xf32>
    %get3A_44 = arith.constant 0 : index
    %get3A_45 = arith.constant 0 : index
    %get3A_46 = vector.load %arg4[%get3A_44, %get3A_45] : memref<32x32000xf32, #tpu.memory_space<vmem>>, vector<32x1xf32>
    %mul3A_47 = arith.constant 3.12519524E-6 : f32
    %mul3A_48 = vector.broadcast %mul3A_47 : f32 to vector<32x1xf32>
    %mul3A_49 = arith.mulf %mul3A_48, %get3A_46 : vector<32x1xf32>
    %add3A_50 = arith.constant -1.3624258 : f32
    %add3A_51 = vector.broadcast %add3A_50 : f32 to vector<32x1xf32>
    %add3A_52 = arith.addf %add3A_51, %mul3A_49 : vector<32x1xf32>
    %get3A_53 = arith.constant 32 : index
    %get3A_54 = arith.constant 0 : index
    %get3A_55 = vector.load %arg2[%get3A_53, %get3A_54] : memref<128x1xf32, #tpu.memory_space<vmem>>, vector<32x1xf32>
    %mul3A_56 = arith.constant 0.899996876 : f32
    %mul3A_57 = vector.broadcast %mul3A_56 : f32 to vector<32x1xf32>
    %mul3A_58 = arith.mulf %mul3A_57, %get3A_55 : vector<32x1xf32>
    %sub3A_59 = arith.subf %add3A_52, %mul3A_58 : vector<32x1xf32>
    %mul3A_60 = arith.constant 3.12519524E-6 : f32
    %mul3A_61 = vector.broadcast %mul3A_60 : f32 to vector<32x1xf32>
    %mul3A_62 = arith.mulf %mul3A_61, %broadcast_in_dim3A_43 : vector<32x1xf32>
    %sub3A_63 = arith.subf %sub3A_59, %mul3A_62 : vector<32x1xf32>
    %slice3A_64 = vector.extract_strided_slice %convert_element_type3A_7 {offsets = [32, 0], sizes = [32, 1], strides = [1, 1]} : vector<128x1xf32> to vector<32x1xf32>
    %mul3A_65 = arith.mulf %slice3A_64, %sub3A_63 : vector<32x1xf32>
    %reduce_sum3A_66 = vector.shape_cast %mul3A_65 : vector<32x1xf32> to vector<1x32x1xf32>
    %reduce_sum3A_67 = arith.constant dense<0.000000e+00> : vector<1xf32>
    %reduce_sum3A_68 = vector.multi_reduction <add>, %reduce_sum3A_66, %reduce_sum3A_67 [1, 2] : vector<1x32x1xf32> to vector<1xf32>
    %reduce_sum3A_69 = vector.shape_cast %reduce_sum3A_68 : vector<1xf32> to vector<1x1x1xf32>
    %reduce_sum3A_70 = vector.extract %reduce_sum3A_69[0, 0, 0] : f32 from vector<1x1x1xf32>
    %reshape3A_71 = vector.broadcast %reduce_sum3A_70 : f32 to vector<1x1xf32>
    %add3A_72 = arith.addf %add3A_37, %reshape3A_71 : vector<1x1xf32>
    %get3A_73 = arith.constant 0 : index
    %get3A_74 = arith.constant 0 : index
    %get3A_75 = vector.load %arg5[%get3A_73, %get3A_74] : memref<32x32000xf32, #tpu.memory_space<vmem>>, vector<32x32000xf32>
    %reduce_sum3A_76 = arith.constant dense<0.000000e+00> : vector<32xf32>
    %reduce_sum3A_77 = vector.multi_reduction <add>, %get3A_75, %reduce_sum3A_76 [1] : vector<32x32000xf32> to vector<32xf32>
    %broadcast_in_dim3A_78 = vector.shape_cast %reduce_sum3A_77 : vector<32xf32> to vector<32x1xf32>
    %get3A_79 = arith.constant 0 : index
    %get3A_80 = arith.constant 0 : index
    %get3A_81 = vector.load %arg5[%get3A_79, %get3A_80] : memref<32x32000xf32, #tpu.memory_space<vmem>>, vector<32x1xf32>
    %mul3A_82 = arith.constant 3.12519524E-6 : f32
    %mul3A_83 = vector.broadcast %mul3A_82 : f32 to vector<32x1xf32>
    %mul3A_84 = arith.mulf %mul3A_83, %get3A_81 : vector<32x1xf32>
    %add3A_85 = arith.constant -1.3624258 : f32
    %add3A_86 = vector.broadcast %add3A_85 : f32 to vector<32x1xf32>
    %add3A_87 = arith.addf %add3A_86, %mul3A_84 : vector<32x1xf32>
    %get3A_88 = arith.constant 64 : index
    %get3A_89 = arith.constant 0 : index
    %get3A_90 = vector.load %arg2[%get3A_88, %get3A_89] : memref<128x1xf32, #tpu.memory_space<vmem>>, vector<32x1xf32>
    %mul3A_91 = arith.constant 0.899996876 : f32
    %mul3A_92 = vector.broadcast %mul3A_91 : f32 to vector<32x1xf32>
    %mul3A_93 = arith.mulf %mul3A_92, %get3A_90 : vector<32x1xf32>
    %sub3A_94 = arith.subf %add3A_87, %mul3A_93 : vector<32x1xf32>
    %mul3A_95 = arith.constant 3.12519524E-6 : f32
    %mul3A_96 = vector.broadcast %mul3A_95 : f32 to vector<32x1xf32>
    %mul3A_97 = arith.mulf %mul3A_96, %broadcast_in_dim3A_78 : vector<32x1xf32>
    %sub3A_98 = arith.subf %sub3A_94, %mul3A_97 : vector<32x1xf32>
    %slice3A_99 = vector.extract_strided_slice %convert_element_type3A_7 {offsets = [64, 0], sizes = [32, 1], strides = [1, 1]} : vector<128x1xf32> to vector<32x1xf32>
    %mul3A_100 = arith.mulf %slice3A_99, %sub3A_98 : vector<32x1xf32>
    %reduce_sum3A_101 = vector.shape_cast %mul3A_100 : vector<32x1xf32> to vector<1x32x1xf32>
    %reduce_sum3A_102 = arith.constant dense<0.000000e+00> : vector<1xf32>
    %reduce_sum3A_103 = vector.multi_reduction <add>, %reduce_sum3A_101, %reduce_sum3A_102 [1, 2] : vector<1x32x1xf32> to vector<1xf32>
    %reduce_sum3A_104 = vector.shape_cast %reduce_sum3A_103 : vector<1xf32> to vector<1x1x1xf32>
    %reduce_sum3A_105 = vector.extract %reduce_sum3A_104[0, 0, 0] : f32 from vector<1x1x1xf32>
    %reshape3A_106 = vector.broadcast %reduce_sum3A_105 : f32 to vector<1x1xf32>
    %add3A_107 = arith.addf %add3A_72, %reshape3A_106 : vector<1x1xf32>
    %get3A_108 = arith.constant 0 : index
    %get3A_109 = arith.constant 0 : index
    %get3A_110 = vector.load %arg6[%get3A_108, %get3A_109] : memref<32x32000xf32, #tpu.memory_space<vmem>>, vector<32x32000xf32>
    %reduce_sum3A_111 = arith.constant dense<0.000000e+00> : vector<32xf32>
    %reduce_sum3A_112 = vector.multi_reduction <add>, %get3A_110, %reduce_sum3A_111 [1] : vector<32x32000xf32> to vector<32xf32>
    %broadcast_in_dim3A_113 = vector.shape_cast %reduce_sum3A_112 : vector<32xf32> to vector<32x1xf32>
    %get3A_114 = arith.constant 0 : index
    %get3A_115 = arith.constant 0 : index
    %get3A_116 = vector.load %arg6[%get3A_114, %get3A_115] : memref<32x32000xf32, #tpu.memory_space<vmem>>, vector<32x1xf32>
    %mul3A_117 = arith.constant 3.12519524E-6 : f32
    %mul3A_118 = vector.broadcast %mul3A_117 : f32 to vector<32x1xf32>
    %mul3A_119 = arith.mulf %mul3A_118, %get3A_116 : vector<32x1xf32>
    %add3A_120 = arith.constant -1.3624258 : f32
    %add3A_121 = vector.broadcast %add3A_120 : f32 to vector<32x1xf32>
    %add3A_122 = arith.addf %add3A_121, %mul3A_119 : vector<32x1xf32>
    %get3A_123 = arith.constant 96 : index
    %get3A_124 = arith.constant 0 : index
    %get3A_125 = vector.load %arg2[%get3A_123, %get3A_124] : memref<128x1xf32, #tpu.memory_space<vmem>>, vector<32x1xf32>
    %mul3A_126 = arith.constant 0.899996876 : f32
    %mul3A_127 = vector.broadcast %mul3A_126 : f32 to vector<32x1xf32>
    %mul3A_128 = arith.mulf %mul3A_127, %get3A_125 : vector<32x1xf32>
    %sub3A_129 = arith.subf %add3A_122, %mul3A_128 : vector<32x1xf32>
    %mul3A_130 = arith.constant 3.12519524E-6 : f32
    %mul3A_131 = vector.broadcast %mul3A_130 : f32 to vector<32x1xf32>
    %mul3A_132 = arith.mulf %mul3A_131, %broadcast_in_dim3A_113 : vector<32x1xf32>
    %sub3A_133 = arith.subf %sub3A_129, %mul3A_132 : vector<32x1xf32>
    %slice3A_134 = vector.extract_strided_slice %convert_element_type3A_7 {offsets = [96, 0], sizes = [32, 1], strides = [1, 1]} : vector<128x1xf32> to vector<32x1xf32>
    %mul3A_135 = arith.mulf %slice3A_134, %sub3A_133 : vector<32x1xf32>
    %reduce_sum3A_136 = vector.shape_cast %mul3A_135 : vector<32x1xf32> to vector<1x32x1xf32>
    %reduce_sum3A_137 = arith.constant dense<0.000000e+00> : vector<1xf32>
    %reduce_sum3A_138 = vector.multi_reduction <add>, %reduce_sum3A_136, %reduce_sum3A_137 [1, 2] : vector<1x32x1xf32> to vector<1xf32>
    %reduce_sum3A_139 = vector.shape_cast %reduce_sum3A_138 : vector<1xf32> to vector<1x1x1xf32>
    %reduce_sum3A_140 = vector.extract %reduce_sum3A_139[0, 0, 0] : f32 from vector<1x1x1xf32>
    %reshape3A_141 = vector.broadcast %reduce_sum3A_140 : f32 to vector<1x1xf32>
    %add3A_142 = arith.addf %add3A_107, %reshape3A_141 : vector<1x1xf32>
    %get3A_143 = arith.constant 0 : index
    %get3A_144 = arith.constant 0 : index
    %get3A_145 = vector.load %arg7[%get3A_143, %get3A_144] : memref<1x1xf32, #tpu.memory_space<vmem>>, vector<1x1xf32>
    %add3A_146 = arith.addf %get3A_145, %add3A_142 : vector<1x1xf32>
    %swap3A = arith.constant 0 : index
    %swap3A_147 = arith.constant 0 : index
    %swap3A_148 = vector.load %arg7[%swap3A, %swap3A_147] : memref<1x1xf32, #tpu.memory_space<vmem>>, vector<1x1xf32>
    tpu.vector_store %arg7[%swap3A, %swap3A_147], %add3A_146 {strides = array<i32>} : memref<1x1xf32, #tpu.memory_space<vmem>>, vector<1x1xf32>,
    return
  }
  func.func @transform_0(%arg0: i32) -> (i32, i32) {
    %c0_i32 = arith.constant 0 : i32
    %c0_i32_0 = arith.constant 0 : i32
    return %arg0, %c0_i32 : i32, i32
  }
  func.func @transform_1(%arg0: i32) -> (i32, i32) {
    %c0_i32 = arith.constant 0 : i32
    %c0_i32_0 = arith.constant 0 : i32
    return %arg0, %c0_i32 : i32, i32
  }
  func.func @transform_2(%arg0: i32) -> (i32, i32) {
    %mul3A = arith.constant 4 : i32
    %mul3A_0 = arith.muli %arg0, %mul3A : i32
    %add3A = arith.constant 0 : i32
    %add3A_1 = arith.addi %mul3A_0, %add3A : i32
    %c0_i32 = arith.constant 0 : i32
    %c0_i32_2 = arith.constant 0 : i32
    return %add3A_1, %c0_i32 : i32, i32
  }
  func.func @transform_3(%arg0: i32) -> (i32, i32) {
    %mul3A = arith.constant 4 : i32
    %mul3A_0 = arith.muli %arg0, %mul3A : i32
    %add3A = arith.constant 1 : i32
    %add3A_1 = arith.addi %mul3A_0, %add3A : i32
    %c0_i32 = arith.constant 0 : i32
    %c0_i32_2 = arith.constant 0 : i32
    return %add3A_1, %c0_i32 : i32, i32
  }
  func.func @transform_4(%arg0: i32) -> (i32, i32) {
    %mul3A = arith.constant 4 : i32
    %mul3A_0 = arith.muli %arg0, %mul3A : i32
    %add3A = arith.constant 2 : i32
    %add3A_1 = arith.addi %mul3A_0, %add3A : i32
    %c0_i32 = arith.constant 0 : i32
    %c0_i32_2 = arith.constant 0 : i32
    return %add3A_1, %c0_i32 : i32, i32
  }
  func.func @transform_5(%arg0: i32) -> (i32, i32) {
    %mul3A = arith.constant 4 : i32
    %mul3A_0 = arith.muli %arg0, %mul3A : i32
    %add3A = arith.constant 3 : i32
    %add3A_1 = arith.addi %mul3A_0, %add3A : i32
    %c0_i32 = arith.constant 0 : i32
    %c0_i32_2 = arith.constant 0 : i32
    return %add3A_1, %c0_i32 : i32, i32
  }
  func.func @transform_6(%arg0: i32) -> (i32, i32) {
    %c0_i32 = arith.constant 0 : i32
    %c0_i32_0 = arith.constant 0 : i32
    %c0_i32_1 = arith.constant 0 : i32
    return %c0_i32, %c0_i32_0 : i32, i32
  }
}

</mosaic_0001>

<sc_bundles>
// kernel: kernel.4.cloned.1.call-start
scs
__scs_entry_jumppad:
0x0: {  	(pc) =	sbr.rel $0x88, $3  }
0x1: {  	(tag) =	ssettag $0x0;
	lr =	simm.s32 $0x1  }
0x2: {  	[smem:$0x3F9F] =	sst lr;
	_ =	strace $0xD0000000  }
0x3: {  	_ = 	snop  }
0x4: {  	_ = 	snop  }
0x5: {  	_ = 	snop  }
0x6: {  	_ = 	snop  }
0x7: {  	_ = 	snop  }
__scs_overlays_trampoline_lowered:
0x8: {  	[smem:$0x3FAE] =	sst s0  }
0x9: {  	[smem:$0x3FAF] =	sst s1  }
0xa: {  	[smem:$0x3FB0] =	sst s2  }
0xb: {  	[smem:$0x3FB1] =	sst s3  }
0xc: {  	[smem:$0x3FB2] =	sst s4  }
0xd: {  	[smem:$0x3FB3] =	sst s5  }
0xe: {  	[smem:$0x3FB4] =	sst s6  }
0xf: {  	[smem:$0x3FB5] =	sst s7  }
0x10: {  	[smem:$0x3FB6] =	sst s8  }
0x11: {  	[smem:$0x3FB7] =	sst s9;
	s0 =	simm.s32 @!p0 $0x0  }
0x12: {  	s1 =	sld [smem:$0x3F9D];
	s0 =	simm.s32 @p0 $0x1  }
0x13: {  	[smem:$0x3FB8] =	sst s0;
	s0 =	simm.s32 @!p1 $0x0  }
0x14: {  	s2 =	sld [smem:$0x3F9C];
	s0 =	simm.s32 @p1 $0x1  }
0x15: {  	[smem:$0x3FB9] =	sst s0;
	s0 =	simm.s32 @!p2 $0x0  }
0x16: {  	s3 =	sld [smem:$0x3FDB];
	s0 =	simm.s32 @p2 $0x1  }
0x17: {  	s4 =	simm.s32 $0x1BF5;
	[smem:$0x3FBB] =	sst s0  }
0x18: {  	s0 =	sld [smem:$0x3F9E];
	_ =	swait.ge [sflag:s4], $0x0  }
0x19: {  	s7 =	sld [smem:$0x3F9F]  }
0x1a: {  	s8 =	sadd.s32 $0xFFFFE003, lr  }
0x1b: {  	s9 =	sadd.s32 $0xFFFFFEF7, lr;
	s5 =	simm.s32 $0xFFFFFFFF;
	p2 =	slt.u32 s8, $0xFFFFF086  }
0x1c: {  	p1 =	slt.u32 s9, $0xF7A;
	s5 =	simm.s32 @!p2 $0x0  }
0x1d: {  	s5 =	simm.s32 @p1 $0x1;
	p0 =	seq.s32 s7, s2  }
0x1e: {  	s7 =	smul.u32 @!p0 $0xF7A, s2;
	p2 =	seq.s32 @!p0 s5, $0x0  }
0x1f: {  	s9 =	smul.u32 $0xF7A, s1;
	s8 =	simm.s32 @!p0 $0x1BF5;
	p2 =	por !p2, p0  }
0x20: {  	[sflag:s8] =	ssyncset.s32 @!p0 $0xFFFFF086;
	s6 =	sadd.s32 @!p0 s3, s7;
	s7 =	simm.s32 @!p0 $0x108  }
0x21: {  	s3 =	sadd.s32 s3, s9;
	s6 =	sadd.s32 @!p0 $0x88, s6;
	s7 =	simm.s32 @p2 $0x1082  }
0x22: {  	[simem:s7], [sflag:s8] =	dma.local @!p0 [hbm:s6], $0xF7A  }
0x23: {  	s9 =	sor.u32 $0xD0000000, s2;
	s6 =	simm.s32 $0x108;
	_ =	swait.ge @!p0 [sflag:s8], $0x0  }
0x24: {  	s3 =	sadd.s32 $0x88, s3;
	s6 =	simm.s32 @!p1 $0x1082;
	[sflag:s4] =	ssyncset.s32 $0xFFFFF086  }
0x25: {  	[simem:s6], [sflag:s4] =	dma.local [hbm:s3], $0xF7A  }
0x26: {  	[smem:$0x3F9F] =	sst s1;
	(tag) =	ssettag s2;
	_ =	strace s9  }
0x27: {  	s1 =	sld [smem:$0x3FAF]  }
0x28: {  	s2 =	sld [smem:$0x3FB0]  }
0x29: {  	s4 =	sld [smem:$0x3FB2]  }
0x2a: {  	p0 =	seq.s32 s5, $0x0;
	s5 =	sld [smem:$0x3FB3]  }
0x2b: {  	s6 =	sld [smem:$0x3FB4]  }
0x2c: {  	s7 =	sld [smem:$0x3FB5]  }
0x2d: {  	s3 =	simm.s32 $0x108;
	s8 =	sld [smem:$0x3FB6]  }
0x2e: {  	s3 =	simm.s32 @!p0 $0x1082;
	s9 =	sld [smem:$0x3FB7]  }
0x2f: {  	lr =	sadd.s32 s0, s3;
	s0 =	sld [smem:$0x3FAE]  }
0x30: {  	s3 =	sld [smem:$0x3FB1]  }
0x31: {  	[smem:$0x3FBA] =	sst s10  }
0x32: {  	s10 =	sld [smem:$0x3FB8];
	_ =	sdelay $0x3  }
0x33: {  	p0 =	seq.s32 s10, $0x1;
	s10 =	sld [smem:$0x3FBA];
	_ =	sdelay $0x3  }
0x34: {  	[smem:$0x3FBA] =	sst s10  }
0x35: {  	s10 =	sld [smem:$0x3FB9];
	_ =	sdelay $0x3  }
0x36: {  	p1 =	seq.s32 s10, $0x1;
	s10 =	sld [smem:$0x3FBA];
	_ =	sdelay $0x3  }
0x37: {  	[smem:$0x3FBA] =	sst s10  }
0x38: {  	s10 =	sld [smem:$0x3FBB]  }
0x39: {  	_ = 	snop;
	(pc) =	sbr.ind lr, $3  }
0x3a: {  	_ = 	snop  }
0x3b: {  	_ = 	snop  }
0x3c: {  	p2 =	seq.s32 s10, $0x1;
	s10 =	sld [smem:$0x3FBA]  }
0x3d: {  	_ =	shalt  }
0x3e: {  	_ =	shalt  }
0x3f: {  	_ =	shalt  }
0x40: {  	_ =	shalt  }
0x41: {  	_ =	shalt  }
0x42: {  	_ =	shalt  }
0x43: {  	_ =	shalt  }
0x44: {  	_ =	shalt  }
0x45: {  	_ =	shalt  }
0x46: {  	_ =	shalt  }
0x47: {  	_ =	shalt  }
0x48: {  	_ =	shalt  }
0x49: {  	_ =	shalt  }
0x4a: {  	_ =	shalt  }
0x4b: {  	_ =	shalt  }
0x4c: {  	_ =	shalt  }
0x4d: {  	_ =	shalt  }
0x4e: {  	_ =	shalt  }
0x4f: {  	_ =	shalt  }
0x50: {  	_ =	shalt  }
0x51: {  	_ =	shalt  }
0x52: {  	_ =	shalt  }
0x53: {  	_ =	shalt  }
0x54: {  	_ =	shalt  }
0x55: {  	_ =	shalt  }
0x56: {  	_ =	shalt  }
0x57: {  	_ =	shalt  }
0x58: {  	_ =	shalt  }
0x59: {  	_ =	shalt  }
0x5a: {  	_ =	shalt  }
0x5b: {  	_ =	shalt  }
0x5c: {  	_ =	shalt  }
0x5d: {  	_ =	shalt  }
0x5e: {  	_ =	shalt  }
0x5f: {  	_ =	shalt  }
0x60: {  	_ =	shalt  }
0x61: {  	_ =	shalt  }
0x62: {  	_ =	shalt  }
0x63: {  	_ =	shalt  }
0x64: {  	_ =	shalt  }
0x65: {  	_ =	shalt  }
0x66: {  	_ =	shalt  }
0x67: {  	_ =	shalt  }
0x68: {  	_ =	shalt  }
0x69: {  	_ =	shalt  }
0x6a: {  	_ =	shalt  }
0x6b: {  	_ =	shalt  }
0x6c: {  	_ =	shalt  }
0x6d: {  	_ =	shalt  }
0x6e: {  	_ =	shalt  }
0x6f: {  	_ =	shalt  }
0x70: {  	_ =	shalt  }
0x71: {  	_ =	shalt  }
0x72: {  	_ =	shalt  }
0x73: {  	_ =	shalt  }
0x74: {  	_ =	shalt  }
0x75: {  	_ =	shalt  }
0x76: {  	_ =	shalt  }
0x77: {  	_ =	shalt  }
0x78: {  	_ =	shalt  }
0x79: {  	_ =	shalt  }
0x7a: {  	_ =	shalt  }
0x7b: {  	_ =	shalt  }
0x7c: {  	_ =	shalt  }
0x7d: {  	_ =	shalt  }
0x7e: {  	_ =	shalt  }
0x7f: {  	_ =	shalt  }
0x80: {  	_ =	shalt  }
0x81: {  	_ =	shalt  }
0x82: {  	_ =	shalt  }
0x83: {  	_ =	shalt  }
0x84: {  	_ =	shalt  }
0x85: {  	_ =	shalt  }
0x86: {  	_ =	shalt  }
0x87: {  	_ =	shalt  }
.Lfunc_end0:
.L_simem_size_0:
called_computation_lowered:
.L_overlay_start_0:
0x88: {  	s2 =	sld [smem:$0x3FD9]  }
0x89: {  	s3 =	sld [smem:$0x3FFE];
	_ =	sdelay $0x1  }
0x8a: {  	s1 =	srdreg.scid  }
0x8b: {  	s0 =	sand.u32 $0x1, s1  }
0x8c: {  	s17 =	sshll.u32 s0, $0xA;
	s2 =	sadd.s32 s3, s2  }
0x8d: {  	s2 =	sadd.s32 s2, s17  }
0x8e: {  	[smem:$0x3FC6] =	sst s2  }
0x8f: {  	_ = 	snop  }
0x90: {  	s2 =	sld [smem:$0x3FC8];
	(tm) =	ssettm $0x1  }
0x91: {  	s18 =	sld [smem:$0x3FFB];
	_ =	sdelay $0x3  }
0x92: {  	_ =	strace s18  }
0x93: {  	s3 =	sld [smem:$0x3FFC];
	_ =	sdelay $0x3  }
0x94: {  	_ =	strace s3  }
0x95: {  	s3 =	sld [smem:$0x3FFD];
	_ =	sdelay $0x3  }
0x96: {  	_ =	strace s3  }
0x97: {  	_ =	strace $0x8FFFFFFF  }
0x98: {  	s19 =	sld [smem:$0x3FDB];
	_ =	sdelay $0x1  }
0x99: {  	s4 =	simm.s32 $_scs_section_size  }
0x9a: {  	s5 =	simm.s32 $_size__tile_overlayer_lowered;
	s6 =	simm.s32 $_tile_overlayer_lowered  }
0x9b: {  	s22 =	simm.s32 $0x1BFF;
	s21 =	sshll.u32 s6, $0x1;
	s3 =	sadd.s32 s4, s19  }
0x9c: {  	s7 =	simm.s32 $0x0;
	s20 =	sshll.u32 s5, $0x1;
	s5 =	sadd.s32 s21, s3  }
0x9d: {  	[timem:s7], [sflag:s22] =	dma.local [hbm:s5], s20  }
0x9e: {  	_ =	swait.ge [sflag:s22], s20  }
0x9f: {  	s4 =	ssub.s32 $0x0, s20;
	[sflag:s22] =	ssyncset.done $0x0  }
0xa0: {  	[sflag:s22] =	ssyncadd.s32 s4;
	_ =	sdelay $0x1  }
0xa1: {  	s23 =	simm.s32 $0x1B8B  }
0xa2: {  	_ =	swait.ge [sflag:s23], $0x1  }
0xa3: {  	[sflag:s23] =	ssyncset.done $0x0  }
0xa4: {  	s25 =	simm.s32 $0x1B8E;
	s24 =	sld [smem:$0x3FFE];
	[sflag:s23] =	ssyncadd.s32 $0xFFFFFFFF  }
0xa5: {  	s26 =	simm.s32 $execute0_lowered;
	[smem:$0x3FD2] =	sst s25  }
0xa6: {  	s5 =	sshll.u32 s26, $0x1;
	_ =	strace $0x80000046;
	[dreg:$0x1] =	wrdreg $0xFFFFFFFF  }
0xa7: {  	s28 =	simm.s32 $_size_execute0_lowered;
	s3 =	sadd.s32 s3, s5;
	[dreg:$0x0] =	wrdreg $0x0  }
0xa8: {  	s5 =	sshll.u32 s28, $0x1;
	[dreg:$0x2] =	wrdreg s3  }
0xa9: {  	[dreg:$0x3] =	wrdreg s5  }
0xaa: {  	[dreg:$0x4] =	wrdreg $0xC0  }
0xab: {  	_ =	task [dreg:s7], $0x5FFFF  }
0xac: {  	[dreg:$0x1] =	wrdreg $0xFFFFFFFF  }
0xad: {  	[dreg:$0x0] =	wrdreg $0x60  }
0xae: {  	[dreg:$0x2] =	wrdreg s24  }
0xaf: {  	[dreg:$0x3] =	wrdreg s2  }
0xb0: {  	[dreg:$0x4] =	wrdreg $0x9  }
0xb1: {  	_ =	task.clear_ibuf [dreg:s7], $0x5FFFF;
	_ =	strace $0x90000046  }
0xb2: {  	s29 =	simm.s32 $0x9;
	_ =	strace $0x80000048  }
0xb3: {  	_ =	swait.ge [sflag:s29], $0x1  }
0xb4: {  	[sflag:s29] =	ssyncadd.s32 $0xFFFFFFFF  }
0xb5: {  	_ =	strace $0x90000048  }
0xb6: {  	_ =	sfence  }
0xb7: {  	s30 =	sld [smem:$0x0];
	_ =	sdelay $0x2  }
0xb8: {  	s31 =	sshll.u32 s1, $0xD;
	s1 =	sshrl.u32 s1, $0x2  }
0xb9: {  	s3 =	sand.u32 $0x4000, s31;
	s1 =	sadd.s32 s1, s30  }
0xba: {  	s0 =	sor.u32 s3, s0;
	s1 =	sshll.u32 s1, $0x11  }
0xbb: {  	s0 =	sor.u32 s1, s0  }
0xbc: {  	s0 =	sadd.s32 $0x8F2B, s0  }
0xbd: {  	[sflag:s0] =	ssyncadd.remote.s32 $0x1  }
0xbe: {  	_ =	sfence.sel $0xFFFF  }
0xbf: {  	[dreg:$0x0] =	wrdreg $0xFFFFFFFF;
	(pc) =	sbr.abs _section_cstart, $3  }
0xc0: {  	[dreg:$0x1] =	wrdreg $0xFFFFFFFF  }
0xc1: {  	_ =	task.clear_ibuf [dreg:s7], $0x2FFFF;
	_ =	strace $0x9FFFFFFF  }
0xc2: {  	(tm) =	ssettm $0x7FFFFFFF  }
0xc3: {  	_ =	shalt  }
tec
execute0_lowered:
.L_overlay_start_1:
0x0: {  	(tag) =	ssettag $0x1  }
0x1: {  	s5 =	rddreg [dreg:$0x0]  }
0x2: {  	s6 =	rddreg [dreg:$0x1];
	s2 =	srdreg.scid  }
0x3: {  	s0 =	rddreg [dreg:$0x2];
	s1 =	stileid.u32  }
0x4: {  	s10 =	simm.s32 $0x100;
	s11 =	simm.s32 $0x1;
	s12 =	simm.s32 $0x0  }
0x5: {  	s4 =	sand.u32 $0x1, s2;
	s2 =	simm.s32 $0x0;
	s3 =	sshll.u32 s1, $0x8  }
0x6: {  	s7 =	sshll.u32 s4, $0x7;
	[smem:$0x7FF] =	sst s2;
	s8 =	ssub.s32 $0x2, s4  }
0x7: {  	s4 =	sadd.s32 $0x600, s5;
	s3 =	sor.u32 s7, s3;
	s31 =	sshrl.u32 s8, $0x1  }
0x8: {  	_ =	strace $0x80000047;
	s7 =	sshrl.u32 s3, $0x3;
	s8 =	ssub.s32 s8, s31  }
0x9: {  	v0 =	vlaneseq.u32;
	s9 =	sadd.s32 s7, s5;
	s5 =	sadd.s32 s6, s7;
	s7 =	smax.u32 s8, $0x1  }
0xa: {  	v0 =	vmul.u32 $0x7D00, v0;
	s8 =	simm.s32 $0x2;
	s6 =	sadd.s32 $0xFA0600, s9;
	s9 =	simm.s32 $0x80  }
.LBB2_1:
0xb: {  	[tilespmem:s2], [sflag:$0x2] =	stream.linear.gather [hbm4b:s5+s2], $0x80, $0x38;
	[tilespmem:$0x180] =	vst v63  }
0xc: {  	_ =	swait.ge [sflag:s8], $0x80  }
0xd: {  	[sflag:s8] =	ssyncset.done $0x0  }
0xe: {  	v1 =	vmov s3;
	s13 =	simm.s32 $0x0;
	[sflag:s8] =	ssyncadd.s32 $0xFFFFFF80  }
0xf: {  	v2 =	vmul.u32 $0x7D00, v1;
	v1 =	vld [tilespmem:s13+$0x0];
	_ =	sdelay $0x2  }
0x10: {  	v2 =	vbroadcast v2, $0x0  }
0x11: {  	s14 =	simm.s32 $0x40;
	s15 =	sadd.s32 $0x10, s3  }
.LBB2_2:
0x12: {  	s16 =	sshra.s32 s14, $0x2;
	p0 =	sne.s32 s14, $0x1C0;
	s14 =	sadd.s32 $0x40, s14;
	v2 =	vadd.s32 v1, v2  }
.Ltmp0:
0x13: {  	v3 =	vmov s15;
	v1 =	vld [tilespmem:s16+$0x0];
	v2 =	vadd.s32 v0, v2;
	(pc) =	sbr.rel @p0 .LBB2_2-.Ltmp0, $3  }
0x14: {  	v3 =	vmul.u32 $0x7D00, v3;
	[tilespmem:s13+$0x80] =	vst v2;
	s13 =	smov.u32 s16;
	_ =	sdelay $0x1  }
0x15: {  	v2 =	vbroadcast v3, $0x0  }
0x16: {  	s15 =	sadd.s32 $0x10, s15  }
0x17: {  	v1 =	vadd.s32 v1, v2  }
0x18: {  	v1 =	vadd.s32 v0, v1  }
0x19: {  	[tilespmem:s13+$0x80] =	vst v1  }
0x1a: {  	[tilespmem:s10], [sflag:$0x1] =	stream.indirect.gather [hbm4b:s4+s9], $0x1, s9, s9, $0xb8;
	[tilespmem:$0x180] =	vst v63  }
0x1b: {  	s12 =	sadd.s32 $0x1, s12;
	_ =	swait.ge [sflag:s11], $0x80  }
0x1c: {  	p0 =	sne.s32 s12, s7;
	[sflag:s11] =	ssyncset.done $0x0  }
.Ltmp1:
0x1d: {  	[sflag:s11] =	ssyncadd.s32 $0xFFFFFF80;
	(pc) =	sbr.rel @p0 .LBB2_1-.Ltmp1, $4  }
0x1e: {  	[hbm4b:s6+s2] =	stream.linear.scatter [tilespmem:s10], [sflag:$0x2], $0x80, $0x38;
	[tilespmem:$0x180] =	vst v63  }
0x1f: {  	_ =	swait.ge [sflag:s8], $0x80  }
0x20: {  	[sflag:s8] =	ssyncset.done $0x0  }
0x21: {  	[sflag:s8] =	ssyncadd.s32 $0xFFFFFF80  }
0x22: {  	_ =	sfence.sel $0x180000  }
0x23: {  	[bflag:$0x0] =	sbarrier.arrive $0xFFFF  }
0x24: {  	p0 =	sne.s32 s1, $0x0;
	_ =	strace $0x90000047  }
0x25: {  	s0 =	sadd.s32 @!p0 $0x100000, s0;
	[bflag:$0x2] =	sbarrier.arrive $0xFFFF  }
0x26: {  	[sflag:s0] =	ssyncadd.tile.s32 @!p0 $0x1;
	_ =	shalt  }
.Lfunc_end2:
_tile_overlayer_lowered:
.L_overlay_start_2:
0x27: {  	(tag) =	ssettag $0x2  }
0x28: {  	s0 =	rddreg [dreg:$0x0];
	s2 =	stileid.u32  }
0x29: {  	s1 =	rddreg [dreg:$0x1];
	p0 =	sne.s32 s2, $0x0  }
0x2a: {  	s3 =	rddreg [dreg:$0x2];
	[bflag:$0x3] =	sbarrier.arrive $0xFFFF;
	s2 =	simm.s32 @!p0 $0x1C02  }
0x2b: {  	[timem:s3], [sflag:s2] =	dma.local @!p0 [hbm:s0], s1  }
0x2c: {  	s0 =	simm.s32 @!p0 $0x2  }
0x2d: {  	_ =	swait.ge @!p0 [sflag:s0], s1  }
0x2e: {  	s1 =	ssub.s32 @!p0 $0x0, s1;
	[sflag:s0] =	ssyncset.done @!p0 $0x0  }
0x2f: {  	[sflag:s0] =	ssyncadd.s32 @!p0 s1  }
0x30: {  	[bflag:$0x3] =	sbarrier.arrive $0xFFFF  }
0x31: {  	_ =	shalt  }

</sc_bundles>
